<compile_context>
chip_gen: v7x
topology: tpu7x:2x2x1
jax: 0.10.2.dev20260603
libtpu: 0.0.44.dev20260713+nightly
codegen_flags: <defaults>
</compile_context>

<pallas_src>
import jax
import jax.numpy as jnp
from jax.experimental import pallas as pl


def kernel(x):
    B, C, T, K = x.shape
    M = B * C
    G = 32
    xr = x.reshape(M, T, K)

    def body(x_ref, arm_ref, other_ref):
        blk = x_ref[...]
        arm_ref[...] = blk[:, :, 5:11]
        other_ref[:, :, 0:5] = blk[:, :, 0:5]
        other_ref[:, :, 5:11] = blk[:, :, 11:17]

    arm, other = pl.pallas_call(
        body,
        grid=(M // G,),
        in_specs=[pl.BlockSpec((G, T, K), lambda i: (i, 0, 0))],
        out_specs=(
            pl.BlockSpec((G, T, 6), lambda i: (i, 0, 0)),
            pl.BlockSpec((G, T, 11), lambda i: (i, 0, 0)),
        ),
        out_shape=(
            jax.ShapeDtypeStruct((M, T, 6), jnp.float32),
            jax.ShapeDtypeStruct((M, T, 11), jnp.float32),
        ),
    )(xr)
    return arm.reshape(B, C, T, 6), other.reshape(B, C, T, 11)

# --- scband reference (transcript-rebuilt; emitter-appended) ---
"""Pipeline reference for scband-key-point-divide-23974507446511 (READ-ONLY COPY).

The authoritative reference and input builder live on the scoring server;
editing this copy changes nothing except your own understanding.
"""

import jax, jax.numpy as jnp
import numpy as np

ARM_INDEX = jnp.array([5, 6, 7, 8, 9, 10], dtype=jnp.int32)
OTHER_INDEX = jnp.array([0, 1, 2, 3, 4, 11, 12, 13, 14, 15, 16], dtype=jnp.int32)


def setup_inputs(seed: int = 0) -> dict:
    key = jax.random.key(seed)
    x = jax.random.normal(key, (256, 64, 100, 17), dtype=jnp.float32)
    return {"x": x}


def reference(x):
    # x[:, :, :, arm_index] -> gather along last axis
    arm_feature = jnp.take(x, ARM_INDEX, axis=3)
    other_feature = jnp.take(x, OTHER_INDEX, axis=3)
    return (arm_feature, other_feature)

if __name__ == "__main__":
    import jax
    _d = setup_inputs()
    print(jax.jit(kernel)(*tuple(_d.values())))

</pallas_src>

<mosaic_0001>
module attributes {stable_mosaic.version = 14 : i64} {
  func.func @body(%arg0: i32, %arg1: memref<32x100x17xf32, #tpu.memory_space<vmem>>, %arg2: memref<32x100x6xf32, #tpu.memory_space<vmem>>, %arg3: memref<32x100x11xf32, #tpu.memory_space<vmem>>) attributes {dimension_semantics = [#tpu.dimension_semantics<arbitrary>], iteration_bounds = array<i64: 512>, scalar_prefetch = 0 : i64, scratch_operands = 0 : i64, tpu.core_type = #tpu.core_type<tc>, window_params = [{transform_indices = @transform_0, window_bounds = array<i64: 32, 100, 17>}, {transform_indices = @transform_1, window_bounds = array<i64: 32, 100, 6>}, {transform_indices = @transform_2, window_bounds = array<i64: 32, 100, 11>}]} {
    %get3A = arith.constant 0 : index
    %get3A_0 = arith.constant 0 : index
    %get3A_1 = arith.constant 0 : index
    %get3A_2 = vector.load %arg1[%get3A, %get3A_0, %get3A_1] : memref<32x100x17xf32, #tpu.memory_space<vmem>>, vector<32x100x17xf32>
    %slice3A = vector.extract_strided_slice %get3A_2 {offsets = [0, 0, 5], sizes = [32, 100, 6], strides = [1, 1, 1]} : vector<32x100x17xf32> to vector<32x100x6xf32>
    %swap3A = arith.constant 0 : index
    %swap3A_3 = arith.constant 0 : index
    %swap3A_4 = arith.constant 0 : index
    %swap3A_5 = vector.load %arg2[%swap3A, %swap3A_3, %swap3A_4] : memref<32x100x6xf32, #tpu.memory_space<vmem>>, vector<32x100x6xf32>
    tpu.vector_store %arg2[%swap3A, %swap3A_3, %swap3A_4], %slice3A {strides = array<i32>} : memref<32x100x6xf32, #tpu.memory_space<vmem>>, vector<32x100x6xf32>,
    %slice3A_6 = vector.extract_strided_slice %get3A_2 {offsets = [0, 0, 0], sizes = [32, 100, 5], strides = [1, 1, 1]} : vector<32x100x17xf32> to vector<32x100x5xf32>
    %swap3A_7 = arith.constant 0 : index
    %swap3A_8 = arith.constant 0 : index
    %swap3A_9 = arith.constant 0 : index
    %swap3A_10 = vector.load %arg3[%swap3A_7, %swap3A_8, %swap3A_9] : memref<32x100x11xf32, #tpu.memory_space<vmem>>, vector<32x100x5xf32>
    tpu.vector_store %arg3[%swap3A_7, %swap3A_8, %swap3A_9], %slice3A_6 {strides = array<i32>} : memref<32x100x11xf32, #tpu.memory_space<vmem>>, vector<32x100x5xf32>,
    %slice3A_11 = vector.extract_strided_slice %get3A_2 {offsets = [0, 0, 11], sizes = [32, 100, 6], strides = [1, 1, 1]} : vector<32x100x17xf32> to vector<32x100x6xf32>
    %swap3A_12 = arith.constant 0 : index
    %swap3A_13 = arith.constant 0 : index
    %swap3A_14 = arith.constant 5 : index
    %swap3A_15 = vector.load %arg3[%swap3A_12, %swap3A_13, %swap3A_14] : memref<32x100x11xf32, #tpu.memory_space<vmem>>, vector<32x100x6xf32>
    tpu.vector_store %arg3[%swap3A_12, %swap3A_13, %swap3A_14], %slice3A_11 {strides = array<i32>} : memref<32x100x11xf32, #tpu.memory_space<vmem>>, vector<32x100x6xf32>,
    return
  }
  func.func @transform_0(%arg0: i32) -> (i32, i32, i32) {
    %c0_i32 = arith.constant 0 : i32
    %c0_i32_0 = arith.constant 0 : i32
    %c0_i32_1 = arith.constant 0 : i32
    return %arg0, %c0_i32, %c0_i32_0 : i32, i32, i32
  }
  func.func @transform_1(%arg0: i32) -> (i32, i32, i32) {
    %c0_i32 = arith.constant 0 : i32
    %c0_i32_0 = arith.constant 0 : i32
    %c0_i32_1 = arith.constant 0 : i32
    return %arg0, %c0_i32, %c0_i32_0 : i32, i32, i32
  }
  func.func @transform_2(%arg0: i32) -> (i32, i32, i32) {
    %c0_i32 = arith.constant 0 : i32
    %c0_i32_0 = arith.constant 0 : i32
    %c0_i32_1 = arith.constant 0 : i32
    return %arg0, %c0_i32, %c0_i32_0 : i32, i32, i32
  }
}

</mosaic_0001>

<sc_bundles>
// kernel: sparse-core-data-format-call.1.cloned.1.call-start
scs
called_computation.1_lowered:
.L_overlay_start_0:
0x0: {  	s2 =	sld [smem:$0x3FD9]  }
0x1: {  	s3 =	sld [smem:$0x3FFE];
	_ =	sdelay $0x1  }
0x2: {  	s1 =	srdreg.scid  }
0x3: {  	s0 =	sand.u32 $0x1, s1  }
0x4: {  	s15 =	sshll.u32 s0, $0xA;
	s2 =	sadd.s32 s3, s2  }
0x5: {  	s2 =	sadd.s32 s2, s15  }
0x6: {  	[smem:$0x3FC7] =	sst s2  }
0x7: {  	_ = 	snop  }
0x8: {  	s2 =	sld [smem:$0x3FD0];
	_ =	sdelay $0x2  }
0x9: {  	s16 =	simm.s32 $0xB;
	s4 =	simm.s32 $0x10  }
0xa: {  	[smem:s4], [sflag:s16] =	dma.local [hbm:s2], $0x1  }
0xb: {  	_ =	swait.eq [sflag:s16], $0x1  }
0xc: {  	[sflag:s16] =	ssyncset.done $0x0  }
0xd: {  	[sflag:s16] =	ssyncadd.s32 $0xFFFFFFFF  }
0xe: {  	s17 =	sld [smem:$0x10];
	(tm) =	ssettm $0x1  }
0xf: {  	s18 =	sld [smem:$0x3FFB];
	_ =	sdelay $0x3  }
0x10: {  	_ =	strace s18  }
0x11: {  	s3 =	sld [smem:$0x3FFC];
	_ =	sdelay $0x3  }
0x12: {  	_ =	strace s3  }
0x13: {  	s3 =	sld [smem:$0x3FFD];
	_ =	sdelay $0x3  }
0x14: {  	_ =	strace s3  }
0x15: {  	_ =	strace $0x8FFFFFFF  }
0x16: {  	s19 =	sld [smem:$0x3FDB];
	_ =	sdelay $0x1  }
0x17: {  	s20 =	simm.s32 $_scs_section_size  }
0x18: {  	s5 =	simm.s32 $_size__tile_overlayer_lowered;
	s6 =	simm.s32 $_tile_overlayer_lowered  }
0x19: {  	s23 =	simm.s32 $0x1BFF;
	s22 =	sshll.u32 s6, $0x1;
	s3 =	sadd.s32 s20, s19  }
0x1a: {  	s7 =	simm.s32 $0x0;
	s21 =	sshll.u32 s5, $0x1;
	s5 =	sadd.s32 s22, s3  }
0x1b: {  	[timem:s7], [sflag:s23] =	dma.local [hbm:s5], s21  }
0x1c: {  	_ =	swait.ge [sflag:s23], s21  }
0x1d: {  	s4 =	ssub.s32 $0x0, s21;
	[sflag:s23] =	ssyncset.done $0x0  }
0x1e: {  	[sflag:s23] =	ssyncadd.s32 s4;
	_ =	sdelay $0x1  }
0x1f: {  	s24 =	simm.s32 $0x1B8B  }
0x20: {  	_ =	swait.ge [sflag:s24], $0x1  }
0x21: {  	[sflag:s24] =	ssyncset.done $0x0  }
0x22: {  	s26 =	simm.s32 $0x1B8E;
	s25 =	sld [smem:$0x3FFE];
	[sflag:s24] =	ssyncadd.s32 $0xFFFFFFFF  }
0x23: {  	s27 =	simm.s32 $execute0_lowered;
	[smem:$0x3FD2] =	sst s26  }
0x24: {  	s5 =	sshll.u32 s27, $0x1;
	_ =	strace $0x80000046;
	[dreg:$0x1] =	wrdreg $0xFFFFFFFF  }
0x25: {  	s28 =	simm.s32 $_size_execute0_lowered;
	s3 =	sadd.s32 s3, s5;
	[dreg:$0x0] =	wrdreg $0x0  }
0x26: {  	s5 =	sshll.u32 s28, $0x1;
	[dreg:$0x2] =	wrdreg s3  }
0x27: {  	[dreg:$0x3] =	wrdreg s5  }
0x28: {  	[dreg:$0x4] =	wrdreg $0xC0  }
0x29: {  	_ =	task [dreg:s7], $0x5FFFF  }
0x2a: {  	[dreg:$0x1] =	wrdreg $0xFFFFFFFF  }
0x2b: {  	[dreg:$0x0] =	wrdreg $0x60  }
0x2c: {  	[dreg:$0x2] =	wrdreg s25  }
0x2d: {  	[dreg:$0x3] =	wrdreg s17  }
0x2e: {  	[dreg:$0x4] =	wrdreg $0xA  }
0x2f: {  	_ =	task.clear_ibuf [dreg:s7], $0x5FFFF;
	_ =	strace $0x90000046  }
0x30: {  	s29 =	simm.s32 $0xA;
	_ =	strace $0x80000048  }
0x31: {  	_ =	swait.ge [sflag:s29], $0x1  }
0x32: {  	[sflag:s29] =	ssyncadd.s32 $0xFFFFFFFF  }
0x33: {  	_ =	strace $0x90000048  }
0x34: {  	_ =	sfence  }
0x35: {  	s30 =	sld [smem:$0x0];
	_ =	sdelay $0x2  }
0x36: {  	s31 =	sshll.u32 s1, $0xD;
	s1 =	sshrl.u32 s1, $0x2  }
0x37: {  	s3 =	sand.u32 $0x4000, s31;
	s1 =	sadd.s32 s1, s30  }
0x38: {  	s0 =	sor.u32 s3, s0;
	s1 =	sshll.u32 s1, $0x11  }
0x39: {  	s0 =	sor.u32 s1, s0  }
0x3a: {  	s0 =	sadd.s32 $0x8F2B, s0  }
0x3b: {  	[sflag:s0] =	ssyncadd.remote.s32 $0x1  }
0x3c: {  	_ =	sfence.sel $0xFFFF  }
0x3d: {  	[dreg:$0x0] =	wrdreg $0xFFFFFFFF;
	(pc) =	sbr.abs _section_cstart, $3  }
0x3e: {  	[dreg:$0x1] =	wrdreg $0xFFFFFFFF  }
0x3f: {  	_ =	task.clear_ibuf [dreg:s7], $0x2FFFF;
	_ =	strace $0x9FFFFFFF  }
0x40: {  	(tm) =	ssettm $0x7FFFFFFF  }
0x41: {  	_ =	shalt  }
tec
execute0_lowered:
.L_overlay_start_1:
0x0: {  	(tag) =	ssettag $0x1  }
0x1: {  	s0 =	stileid.u32;
	s4 =	rddreg [dreg:$0x0]  }
0x2: {  	s2 =	rddreg [dreg:$0x1];
	s6 =	srdreg.scid  }
0x3: {  	s31 =	simm.s32 $0x2;
	s19 =	simm.s32 $0x0;
	p0 =	por $0x0, $0x0  }
0x4: {  	s9 =	simm.s32 $0x4000;
	s18 =	simm.s32 $0x0;
	s17 =	simm.s32 $0x0  }
0x5: {  	s10 =	simm.s32 $0x0;
	s11 =	simm.s32 $0x0;
	s1 =	sshll.u32 s0, $0x7  }
0x6: {  	s12 =	simm.s32 $0x0;
	s13 =	simm.s32 $0x0;
	s3 =	sand.u32 $0x80, s1  }
0x7: {  	s16 =	simm.s32 $0x0;
	s6 =	sshll.u32 s6, $0x4;
	s5 =	ssub.s32 $0x100, s3  }
0x8: {  	s4 =	sadd.s32 $0x1A00A00, s4;
	s1 =	rddreg [dreg:$0x2];
	s7 =	sshrl.u32 s5, $0x7  }
.Ltmp0:
0x9: {  	s5 =	sshrl.u32 s5, $0x8;
	s7 =	sand.u32 $0x1, s7;
	(pc) =	sbr.rel .LBB1_1-.Ltmp0, $4  }
0xa: {  	_ =	strace $0x80000047;
	s6 =	sand.u32 $0x10, s6;
	s7 =	sadd.s32 s5, s7  }
0xb: {  	s8 =	sor.u32 s0, s6;
	s5 =	simm.s32 $0x1;
	s6 =	smul.u32 $0x190, s7  }
0xc: {  	s15 =	smov.u32 s3;
	s7 =	sshrl.u32 s8, $0x1;
	[sflag:s5] =	ssyncpa.u1 $0x0  }
0xd: {  	[sflag:s31] =	ssyncpa.u1 $0x0;
	s14 =	smov.u32 s7;
	s8 =	sor.u32 $0x1, s6  }
.LBB1_4:
0xe: {  	s22 =	sshll.u32 s11, $0x8  }
0xf: {  	s23 =	sshll.u32 s12, $0x3;
	s24 =	sshll.u32 s11, $0x7;
	p1 =	sgt.s32 s11, $0x3F  }
0x10: {  	s25 =	sshra.s32 s11, $0x1F;
	p2 =	sgt.s32 s10, $0x63;
	s26 =	sshra.s32 s12, $0x1F  }
0x11: {  	s31 =	sshra.s32 s10, $0x1F;
	s22 =	sand.u32 $0x3800, s22;
	s23 =	sand.u32 $0x3C00, s23  }
0x12: {  	s30 =	sand.u32 $0x300, s24;
	s25 =	sand.u32 s25, s11;
	s26 =	sand.u32 s26, s12  }
0x13: {  	s24 =	sand.u32 $0x80, s24;
	s22 =	sadd.s32 s23, s22;
	s23 =	smov.u32 s11  }
0x14: {  	s22 =	sor.u32 s30, s22;
	s23 =	simm.s32 @!p1 $0x3F;
	p1 =	sgt.s32 s12, $0x80  }
0x15: {  	s30 =	sand.u32 $0x78, s12;
	s23 =	ssub.s32 s23, s25;
	s25 =	smov.u32 s12  }
0x16: {  	s27 =	sadd.s32 $0xFFFFFFC1, s23;
	s25 =	simm.s32 @!p1 $0x80;
	s23 =	ssub.s32 $0x40, s23  }
0x17: {  	p1 =	sgt.s32 s27, $0x0;
	s27 =	smov.u32 s10;
	s25 =	ssub.s32 s25, s26  }
0x18: {  	s26 =	sand.u32 s31, s10;
	s31 =	smul.u32 $0x3000, s10;
	s27 =	simm.s32 @!p2 $0x63  }
0x19: {  	s23 =	simm.s32 @p1 $0x0;
	s28 =	sadd.s32 $0xFFFFFF80, s25;
	s26 =	ssub.s32 s27, s26  }
0x1a: {  	s25 =	ssub.s32 $0x100, s25;
	p1 =	sgt.s32 s28, $0x7F;
	s29 =	ssub.s32 $0x64, s26  }
0x1b: {  	s26 =	sadd.s32 $0xFFFFFF9D, s26;
	s25 =	simm.s32 @p1 $0x0;
	s27 =	smul.u32 $0x6, s29  }
0x1c: {  	s24 =	sor.u32 s30, s24;
	p1 =	sgt.s32 s26, $0x0;
	s23 =	smul.u32 s25, s23  }
0x1d: {  	s22 =	sshrl.u32 s22, $0x3;
	s24 =	sshrl.u32 s24, $0x3;
	s27 =	simm.s32 @p1 $0x0  }
0x1e: {  	s28 =	sand.u32 $0x7, s12;
	s25 =	sadd.s32 s2, s31;
	s23 =	smul.u32 s27, s23  }
0x1f: {  	s22 =	sand.u32 $0x7E0, s22;
	s29 =	sshll.u32 s28, $0x12;
	s24 =	sadd.s32 s24, s25  }
0x20: {  	[tilespmem:s21+$0x0 ss:$0x81] =	vst.msk $0xff, v0;
	s31 =	sor.u32 $0x80, s29;
	s22 =	sadd.s32 s22, s24;
	s30 =	sand.u32 $0x3FFFFFFE, s23  }
0x21: {  	[hbm4b:s22+s31] =	stream.strided.scatter [tilespmem:s20], [sflag:$0x2], s30, s9, s31, $0x20;
	[tilespmem:$0x1010] =	vst v63  }
.LBB1_5:
0x22: {  	p1 =	slt.u32 s16, $0x2  }
0x23: {  	s20 =	smov.u32 s19;
	p2 =	sgt.s32 @!p1 s19, $0x63;
	s21 =	sshra.s32 @!p1 s19, $0x1F  }
0x24: {  	s22 =	sshra.s32 @!p1 s17, $0x1F;
	p2 =	por !p2, p1;
	s19 =	sand.u32 @!p1 s21, s19  }
0x25: {  	s21 =	sshra.s32 @!p1 s18, $0x1F;
	s20 =	simm.s32 @p2 $0x63;
	p2 =	sgt.s32 @!p1 s18, $0x3F  }
0x26: {  	s19 =	ssub.s32 @!p1 s20, s19;
	p2 =	por !p2, p1;
	s20 =	smov.u32 s18  }
0x27: {  	s18 =	sand.u32 @!p1 s21, s18;
	s20 =	simm.s32 @p2 $0x3F;
	p2 =	sgt.s32 @!p1 s17, $0x80  }
0x28: {  	s21 =	smov.u32 s17;
	s17 =	sand.u32 @!p1 s22, s17;
	p2 =	por !p2, p1  }
0x29: {  	s18 =	ssub.s32 @!p1 s20, s18;
	s20 =	sadd.s32 @!p1 $0xFFFFFF9D, s19;
	s21 =	simm.s32 @p2 $0x80  }
0x2a: {  	s19 =	ssub.s32 @!p1 $0x64, s19;
	s17 =	ssub.s32 @!p1 s21, s17;
	s21 =	sadd.s32 @!p1 $0xFFFFFFC1, s18  }
0x2b: {  	s19 =	smul.u32 @!p1 $0x6, s19;
	p2 =	sgt.s32 @!p1 s21, $0x0;
	s21 =	sadd.s32 @!p1 $0xFFFFFF80, s17  }
0x2c: {  	s18 =	ssub.s32 @!p1 $0x40, s18;
	p2 =	por !p2, p1;
	p3 =	sgt.s32 @!p1 s21, $0x7F  }
0x2d: {  	s17 =	ssub.s32 @!p1 $0x100, s17;
	s18 =	simm.s32 @!p2 $0x0;
	p2 =	por !p3, p1  }
0x2e: {  	s21 =	smov.u32 s14;
	p3 =	sgt.s32 @!p1 s20, $0x0;
	s17 =	simm.s32 @!p2 $0x0  }
0x2f: {  	s20 =	sadd.s32 $0x1, s13;
	p2 =	por !p3, p1;
	s17 =	smul.u32 @!p1 s17, s18  }
0x30: {  	s19 =	simm.s32 @!p2 $0x0;
	p2 =	sgt.s32 s20, $0x63;
	s18 =	sadd.s32 $0x10, s14  }
0x31: {  	p0 =	por !p0, !p0;
	s21 =	smov.u32 @p2 s18  }
0x32: {  	s22 =	smov.u32 s15;
	s18 =	sadd.s32 $0x100, s15;
	p3 =	sgt.s32 s21, $0x3F  }
0x33: {  	s23 =	simm.s32 @!p1 $0x2;
	s20 =	simm.s32 @p2 $0x0;
	s22 =	smov.u32 @p3 s18  }
0x34: {  	s17 =	smul.u32 @!p1 s19, s17;
	s19 =	smov.u32 s10;
	p2 =	sgt.s32 s22, $0xFF  }
0x35: {  	s10 =	smov.u32 s13;
	s22 =	smov.u32 @p2 s3;
	p2 =	sne.s32 s16, s8  }
.Ltmp1:
0x36: {  	s13 =	smov.u32 s20;
	s21 =	smov.u32 @p3 s7;
	(pc) =	sbr.rel @!p2 .LBB1_6-.Ltmp1, $4  }
0x37: {  	s18 =	smov.u32 s11;
	s11 =	smov.u32 s14;
	s17 =	sand.u32 @!p1 $0x3FFFFFFE, s17  }
0x38: {  	s14 =	smov.u32 s21;
	_ =	swait.ge @!p1 [sflag:s23], s17;
	s24 =	ssub.s32 @!p1 $0x0, s17  }
0x39: {  	s17 =	smov.u32 s12;
	s16 =	sadd.s32 $0x1, s16;
	[sflag:s23] =	ssyncset.done @!p1 $0x0  }
0x3a: {  	s12 =	smov.u32 s15;
	s15 =	smov.u32 s22;
	[sflag:s23] =	ssyncadd.s32 @!p1 s24  }
.LBB1_1:
0x3b: {  	p1 =	sge.u32 s16, s6  }
0x3c: {  	s20 =	sand.u32 @!p1 $0x1FFFFFF, s13;
	s22 =	smul.u32 @!p1 $0x1A000, s15  }
0x3d: {  	s21 =	smulhi.u32 @!p1 $0x2762763, s20  }
0x3e: {  	s24 =	smul.u32 @!p1 $0x680, s14  }
0x3f: {  	s21 =	smul.u32 @!p1 $0x68, s21  }
0x40: {  	s31 =	sadd.s32 $0xFFFFFFFF, s16;
	s22 =	sadd.s32 @!p1 s4, s22  }
0x41: {  	s23 =	sxor.u32 @!p1 $0xFFFFFFFF, s16;
	s22 =	sadd.s32 @!p1 s24, s22;
	s20 =	ssub.s32 @!p1 s20, s21  }
0x42: {  	s21 =	sshll.u32 @!p1 s23, $0xA;
	s23 =	simm.s32 @!p1 $0xD0000;
	s20 =	sshll.u32 @!p1 s20, $0x4  }
0x43: {  	s21 =	sand.u32 @!p1 $0x400, s21;
	s20 =	sadd.s32 @!p1 s20, s22;
	s22 =	simm.s32 @!p1 $0x8  }
0x44: {  	[tilespmem:s21], [sflag:$0x1] =	stream.strided.gather @!p1 [hbm4b:s20+s22], $0x400, s23, s22, $0x38;
	[tilespmem:$0x1010] =	vst v63  }
0x45: {  	p1 =	sge.u32 s31, s6  }
.Ltmp2:
0x46: {  	_ = 	snop;
	(pc) =	sbr.rel @p1 .LBB1_5-.Ltmp2, $1  }
0x47: {  	_ =	sdelay $0x3  }
0x48: {  	s20 =	simm.s32 $0x1  }
0x49: {  	s20 =	simm.s32 @!p0 $0x0  }
0x4a: {  	s21 =	sshll.u32 s20, $0xA  }
0x4b: {  	v1 =	vmov s21;
	_ =	sdelay $0x1  }
0x4c: {  	_ =	swait.ge [sflag:s5], $0x400  }
0x4d: {  	s31 =	sand.u32 $0x1, s16;
	[sflag:s5] =	ssyncset.done $0x0  }
0x4e: {  	s23 =	simm.s32 $0x0;
	s20 =	smul.u32 $0x1020, s20;
	[sflag:s5] =	ssyncadd.s32 $0xFFFFFC00  }
0x4f: {  	s21 =	smul.u32 $0x1020, s31;
	v0 =	vld.idx.msk [tilespmem:v1+s23+$0x0 ss:$0x1], $0xff;
	_ =	sdelay $0x1  }
0x50: {  	s20 =	sshrl.u32 s20, $0x2;
	s22 =	sshrl.u32 s21, $0x2  }
0x51: {  	s21 =	sor.u32 $0x800, s20;
	s20 =	sor.u32 $0x800, s22;
	s22 =	simm.s32 $0x20  }
.LBB1_3:
0x52: {  	s23 =	sshra.s32 s22, $0x2;
	p1 =	sne.s32 s22, $0xFE0;
	s22 =	sadd.s32 $0x20, s22  }
.Ltmp3:
0x53: {  	[tilespmem:s21+$0x0 ss:$0x81] =	vst.msk $0xff, v0;
	v0 =	vld.idx.msk [tilespmem:v1+s23+$0x0 ss:$0x1], $0xff;
	(pc) =	sbr.rel @p1 .LBB1_3-.Ltmp3, $2  }
0x54: {  	_ =	sdelay $0x2  }
0x55: {  	s21 =	sadd.s32 $0x1, s21  }
.Ltmp4:
0x56: {  	_ = 	snop;
	(pc) =	sbr.rel .LBB1_4-.Ltmp4, $1  }
0x57: {  	_ =	sdelay $0x3  }
.LBB1_6:
0x58: {  	_ =	sfence.sel $0x180000  }
0x59: {  	s2 =	simm.s32 $0x1;
	[bflag:$0x0] =	sbarrier.arrive $0xFFFF  }
0x5a: {  	s31 =	simm.s32 $0x2;
	[sflag:s2] =	ssyncpa.u1 $0x1  }
0x5b: {  	[sflag:s31] =	ssyncpa.u1 $0x1  }
0x5c: {  	p0 =	sne.s32 s0, $0x0;
	_ =	strace $0x90000047  }
0x5d: {  	s0 =	sadd.s32 @!p0 $0x100000, s1;
	[bflag:$0x2] =	sbarrier.arrive $0xFFFF  }
0x5e: {  	[sflag:s0] =	ssyncadd.tile.s32 @!p0 $0x1;
	_ =	shalt  }
.Lfunc_end1:
_tile_overlayer_lowered:
.L_overlay_start_2:
0x5f: {  	(tag) =	ssettag $0x2  }
0x60: {  	s0 =	rddreg [dreg:$0x0];
	s2 =	stileid.u32  }
0x61: {  	s1 =	rddreg [dreg:$0x1];
	p0 =	sne.s32 s2, $0x0  }
0x62: {  	s3 =	rddreg [dreg:$0x2];
	[bflag:$0x3] =	sbarrier.arrive $0xFFFF;
	s2 =	simm.s32 @!p0 $0x1C01  }
0x63: {  	[timem:s3], [sflag:s2] =	dma.local @!p0 [hbm:s0], s1  }
0x64: {  	s0 =	simm.s32 @!p0 $0x1  }
0x65: {  	_ =	swait.ge @!p0 [sflag:s0], s1  }
0x66: {  	s1 =	ssub.s32 @!p0 $0x0, s1;
	[sflag:s0] =	ssyncset.done @!p0 $0x0  }
0x67: {  	[sflag:s0] =	ssyncadd.s32 @!p0 s1  }
0x68: {  	[bflag:$0x3] =	sbarrier.arrive $0xFFFF  }
0x69: {  	_ =	shalt  }

// kernel: sparse-core-data-format-call.cloned.1.call-start
scs
called_computation_lowered:
.L_overlay_start_0:
0x0: {  	s2 =	sld [smem:$0x3FD9]  }
0x1: {  	s3 =	sld [smem:$0x3FFE];
	_ =	sdelay $0x1  }
0x2: {  	s1 =	srdreg.scid  }
0x3: {  	s0 =	sand.u32 $0x1, s1  }
0x4: {  	s16 =	sshll.u32 s0, $0xA;
	s2 =	sadd.s32 s3, s2  }
0x5: {  	s2 =	sadd.s32 s2, s16  }
0x6: {  	[smem:$0x3FC7] =	sst s2  }
0x7: {  	_ = 	snop  }
0x8: {  	s2 =	sld [smem:$0x3FD0];
	_ =	sdelay $0x2  }
0x9: {  	s17 =	simm.s32 $0xB;
	s4 =	simm.s32 $0x10  }
0xa: {  	[smem:s4], [sflag:s17] =	dma.local [hbm:s2], $0x1  }
0xb: {  	_ =	swait.eq [sflag:s17], $0x1  }
0xc: {  	[sflag:s17] =	ssyncset.done $0x0  }
0xd: {  	[sflag:s17] =	ssyncadd.s32 $0xFFFFFFFF  }
0xe: {  	s18 =	sld [smem:$0x11];
	(tm) =	ssettm $0x1  }
0xf: {  	s19 =	sld [smem:$0x3FFB];
	_ =	sdelay $0x3  }
0x10: {  	_ =	strace s19  }
0x11: {  	s2 =	sld [smem:$0x3FFC];
	_ =	sdelay $0x3  }
0x12: {  	_ =	strace s2  }
0x13: {  	s2 =	sld [smem:$0x3FFD];
	_ =	sdelay $0x3  }
0x14: {  	_ =	strace s2  }
0x15: {  	_ =	strace $0x8FFFFFFF  }
0x16: {  	s20 =	sld [smem:$0x3FDB];
	_ =	sdelay $0x1  }
0x17: {  	s21 =	simm.s32 $_scs_section_size  }
0x18: {  	s5 =	simm.s32 $_size__tile_overlayer_lowered;
	s6 =	simm.s32 $_tile_overlayer_lowered  }
0x19: {  	s7 =	simm.s32 $0x1BFF;
	s22 =	sshll.u32 s6, $0x1;
	s4 =	sadd.s32 s21, s20  }
0x1a: {  	s23 =	simm.s32 $0x0;
	s5 =	sshll.u32 s5, $0x1;
	s6 =	sadd.s32 s22, s4  }
0x1b: {  	[timem:s23], [sflag:s7] =	dma.local [hbm:s6], s5  }
0x1c: {  	_ =	swait.ge [sflag:s7], s5  }
0x1d: {  	s5 =	ssub.s32 $0x0, s5;
	[sflag:s7] =	ssyncset.done $0x0  }
0x1e: {  	[sflag:s7] =	ssyncadd.s32 s5;
	_ =	sdelay $0x1  }
0x1f: {  	s24 =	simm.s32 $0x1B8B  }
0x20: {  	_ =	swait.ge [sflag:s24], $0x1  }
0x21: {  	[sflag:s24] =	ssyncset.done $0x0  }
0x22: {  	[sflag:s24] =	ssyncadd.s32 $0xFFFFFFFF  }
0x23: {  	s5 =	sld [smem:$0x0]  }
0x24: {  	s6 =	sand.u32 $0xFFFFFFFE, s1  }
0x25: {  	p0 =	sne.s32 s1, s6  }
0x26: {  	s6 =	sshll.u32 @p0 s6, $0xE  }
0x27: {  	s6 =	sadd.s32 @p0 $0x11B8D, s6;
	s7 =	sshll.u32 @p0 s5, $0x11  }
0x28: {  	s6 =	sor.u32 @p0 s7, s6  }
0x29: {  	[sflag:s6] =	ssyncadd.remote.s32 @p0 $0x1;
	_ =	sdelay $0x1  }
0x2a: {  	s6 =	simm.s32 @p0 $0x1B8D  }
0x2b: {  	_ =	swait.eq @p0 [sflag:s6], $0x1  }
0x2c: {  	[sflag:s6] =	ssyncadd.s32 @p0 $0xFFFFFFFF  }
0x2d: {  	s7 =	sshll.u32 @!p0 s1, $0xE  }
0x2e: {  	s7 =	sor.u32 @!p0 $0x4000, s7;
	s6 =	simm.s32 @!p0 $0x1B8D  }
0x2f: {  	s5 =	sshll.u32 @!p0 s5, $0x11;
	s7 =	sadd.s32 @!p0 $0x11B8D, s7;
	_ =	swait.eq @!p0 [sflag:s6], $0x1  }
0x30: {  	s5 =	sor.u32 @!p0 s5, s7;
	[sflag:s6] =	ssyncadd.s32 @!p0 $0xFFFFFFFF  }
0x31: {  	s26 =	simm.s32 $0x1B8E;
	s25 =	sld [smem:$0x3FFE];
	[sflag:s5] =	ssyncadd.remote.s32 @!p0 $0x1  }
0x32: {  	s27 =	simm.s32 $execute0_lowered;
	[smem:$0x3FD2] =	sst s26  }
0x33: {  	s6 =	sshll.u32 s27, $0x1;
	_ =	strace $0x80000049;
	[dreg:$0x1] =	wrdreg $0xFFFFFFFF  }
0x34: {  	s28 =	simm.s32 $_size_execute0_lowered;
	s4 =	sadd.s32 s4, s6;
	[dreg:$0x0] =	wrdreg $0x0  }
0x35: {  	s6 =	sshll.u32 s28, $0x1;
	[dreg:$0x2] =	wrdreg s4  }
0x36: {  	[dreg:$0x3] =	wrdreg s6  }
0x37: {  	[dreg:$0x4] =	wrdreg $0xC0  }
0x38: {  	_ =	task [dreg:s23], $0x5FFFF  }
0x39: {  	[dreg:$0x1] =	wrdreg $0xFFFFFFFF  }
0x3a: {  	[dreg:$0x0] =	wrdreg $0x60  }
0x3b: {  	[dreg:$0x2] =	wrdreg s25  }
0x3c: {  	[dreg:$0x3] =	wrdreg s18  }
0x3d: {  	[dreg:$0x4] =	wrdreg $0x9  }
0x3e: {  	_ =	task.clear_ibuf [dreg:s23], $0x5FFFF;
	_ =	strace $0x90000049  }
0x3f: {  	s29 =	simm.s32 $0x9;
	_ =	strace $0x8000004B  }
0x40: {  	_ =	swait.ge [sflag:s29], $0x1  }
0x41: {  	[sflag:s29] =	ssyncadd.s32 $0xFFFFFFFF  }
0x42: {  	_ =	strace $0x9000004B  }
0x43: {  	_ =	sfence  }
0x44: {  	s30 =	sld [smem:$0x0];
	_ =	sdelay $0x2  }
0x45: {  	s31 =	sshll.u32 s1, $0xD;
	s1 =	sshrl.u32 s1, $0x2  }
0x46: {  	s4 =	sand.u32 $0x4000, s31;
	s1 =	sadd.s32 s1, s30  }
0x47: {  	s0 =	sor.u32 s4, s0;
	s1 =	sshll.u32 s1, $0x11  }
0x48: {  	s0 =	sor.u32 s1, s0  }
0x49: {  	s0 =	sadd.s32 $0x8F2B, s0  }
0x4a: {  	[sflag:s0] =	ssyncadd.remote.s32 $0x1  }
0x4b: {  	_ =	sfence.sel $0xFFFF  }
0x4c: {  	[dreg:$0x0] =	wrdreg $0xFFFFFFFF;
	(pc) =	sbr.abs _section_cstart, $3  }
0x4d: {  	[dreg:$0x1] =	wrdreg $0xFFFFFFFF  }
0x4e: {  	_ =	task.clear_ibuf [dreg:s23], $0x2FFFF;
	_ =	strace $0x9FFFFFFF  }
0x4f: {  	(tm) =	ssettm $0x7FFFFFFF  }
tec
execute0_lowered:
.L_overlay_start_1:
0x0: {  	(tag) =	ssettag $0x1  }
0x1: {  	s0 =	stileid.u32;
	s4 =	rddreg [dreg:$0x0]  }
0x2: {  	s2 =	rddreg [dreg:$0x1];
	s6 =	srdreg.scid  }
0x3: {  	s31 =	simm.s32 $0x2;
	s19 =	simm.s32 $0x0;
	p0 =	por $0x0, $0x0  }
0x4: {  	s9 =	simm.s32 $0x4000;
	s18 =	simm.s32 $0x0;
	s17 =	simm.s32 $0x0  }
0x5: {  	s10 =	simm.s32 $0x0;
	s11 =	simm.s32 $0x0;
	s1 =	sshll.u32 s0, $0x7  }
0x6: {  	s12 =	simm.s32 $0x0;
	s13 =	simm.s32 $0x0;
	s3 =	sand.u32 $0x80, s1  }
0x7: {  	s16 =	simm.s32 $0x0;
	s6 =	sshll.u32 s6, $0x4;
	s5 =	ssub.s32 $0x100, s3  }
0x8: {  	s4 =	sadd.s32 $0x3400A00, s4;
	s1 =	rddreg [dreg:$0x2];
	s7 =	sshrl.u32 s5, $0x7  }
.Ltmp0:
0x9: {  	s5 =	sshrl.u32 s5, $0x8;
	s7 =	sand.u32 $0x1, s7;
	(pc) =	sbr.rel .LBB1_1-.Ltmp0, $4  }
0xa: {  	_ =	strace $0x8000004A;
	s6 =	sand.u32 $0x10, s6;
	s7 =	sadd.s32 s5, s7  }
0xb: {  	s8 =	sor.u32 s0, s6;
	s5 =	simm.s32 $0x1;
	s6 =	smul.u32 $0x190, s7  }
0xc: {  	s15 =	smov.u32 s3;
	s7 =	sshrl.u32 s8, $0x1;
	[sflag:s5] =	ssyncpa.u1 $0x0  }
0xd: {  	[sflag:s31] =	ssyncpa.u1 $0x0;
	s14 =	smov.u32 s7;
	s8 =	sor.u32 $0x1, s6  }
.LBB1_4:
0xe: {  	s22 =	sshll.u32 s11, $0x8  }
0xf: {  	s23 =	sshll.u32 s12, $0x3;
	s24 =	sshll.u32 s11, $0x7;
	p1 =	sgt.s32 s11, $0x3F  }
0x10: {  	s25 =	sshra.s32 s11, $0x1F;
	p2 =	sgt.s32 s10, $0x63;
	s26 =	sshra.s32 s12, $0x1F  }
0x11: {  	s31 =	sshra.s32 s10, $0x1F;
	s22 =	sand.u32 $0x3800, s22;
	s23 =	sand.u32 $0x3C00, s23  }
0x12: {  	s30 =	sand.u32 $0x300, s24;
	s25 =	sand.u32 s25, s11;
	s26 =	sand.u32 s26, s12  }
0x13: {  	s24 =	sand.u32 $0x80, s24;
	s22 =	sadd.s32 s23, s22;
	s23 =	smov.u32 s11  }
0x14: {  	s22 =	sor.u32 s30, s22;
	s23 =	simm.s32 @!p1 $0x3F;
	p1 =	sgt.s32 s12, $0x80  }
0x15: {  	s30 =	sand.u32 $0x78, s12;
	s23 =	ssub.s32 s23, s25;
	s25 =	smov.u32 s12  }
0x16: {  	s27 =	sadd.s32 $0xFFFFFFC1, s23;
	s25 =	simm.s32 @!p1 $0x80;
	s23 =	ssub.s32 $0x40, s23  }
0x17: {  	p1 =	sgt.s32 s27, $0x0;
	s27 =	smov.u32 s10;
	s25 =	ssub.s32 s25, s26  }
0x18: {  	s26 =	sand.u32 s31, s10;
	s31 =	smul.u32 $0x5800, s10;
	s27 =	simm.s32 @!p2 $0x63  }
0x19: {  	s23 =	simm.s32 @p1 $0x0;
	s28 =	sadd.s32 $0xFFFFFF80, s25;
	s26 =	ssub.s32 s27, s26  }
0x1a: {  	s25 =	ssub.s32 $0x100, s25;
	p1 =	sgt.s32 s28, $0x7F;
	s29 =	ssub.s32 $0x64, s26  }
0x1b: {  	s26 =	sadd.s32 $0xFFFFFF9D, s26;
	s25 =	simm.s32 @p1 $0x0;
	s27 =	smul.u32 $0xB, s29  }
0x1c: {  	s24 =	sor.u32 s30, s24;
	p1 =	sgt.s32 s26, $0x0;
	s23 =	smul.u32 s25, s23  }
0x1d: {  	s22 =	sshrl.u32 s22, $0x3;
	s24 =	sshrl.u32 s24, $0x3;
	s27 =	simm.s32 @p1 $0x0  }
0x1e: {  	s28 =	sand.u32 $0x7, s12;
	s25 =	sadd.s32 s2, s31;
	s23 =	smul.u32 s27, s23  }
0x1f: {  	s22 =	sand.u32 $0x7E0, s22;
	s29 =	sshll.u32 s28, $0x12;
	s24 =	sadd.s32 s24, s25  }
0x20: {  	[tilespmem:s21+$0x0 ss:$0x81] =	vst.msk $0xffff, v0;
	s31 =	sor.u32 $0x80, s29;
	s22 =	sadd.s32 s22, s24;
	s30 =	sand.u32 $0x3FFFFFFF, s23  }
0x21: {  	[hbm4b:s22+s31] =	stream.strided.scatter [tilespmem:s20], [sflag:$0x2], s30, s9, s31, $0x20;
	[tilespmem:$0x2020] =	vst v63  }
.LBB1_5:
0x22: {  	p1 =	slt.u32 s16, $0x2  }
0x23: {  	s20 =	smov.u32 s19;
	p2 =	sgt.s32 @!p1 s19, $0x63;
	s21 =	sshra.s32 @!p1 s19, $0x1F  }
0x24: {  	s22 =	sshra.s32 @!p1 s17, $0x1F;
	p2 =	por !p2, p1;
	s19 =	sand.u32 @!p1 s21, s19  }
0x25: {  	s21 =	sshra.s32 @!p1 s18, $0x1F;
	s20 =	simm.s32 @p2 $0x63;
	p2 =	sgt.s32 @!p1 s18, $0x3F  }
0x26: {  	s19 =	ssub.s32 @!p1 s20, s19;
	p2 =	por !p2, p1;
	s20 =	smov.u32 s18  }
0x27: {  	s18 =	sand.u32 @!p1 s21, s18;
	s20 =	simm.s32 @p2 $0x3F;
	p2 =	sgt.s32 @!p1 s17, $0x80  }
0x28: {  	s21 =	smov.u32 s17;
	s17 =	sand.u32 @!p1 s22, s17;
	p2 =	por !p2, p1  }
0x29: {  	s18 =	ssub.s32 @!p1 s20, s18;
	s20 =	sadd.s32 @!p1 $0xFFFFFF9D, s19;
	s21 =	simm.s32 @p2 $0x80  }
0x2a: {  	s19 =	ssub.s32 @!p1 $0x64, s19;
	s17 =	ssub.s32 @!p1 s21, s17;
	s21 =	sadd.s32 @!p1 $0xFFFFFFC1, s18  }
0x2b: {  	s19 =	smul.u32 @!p1 $0xB, s19;
	p2 =	sgt.s32 @!p1 s21, $0x0;
	s21 =	sadd.s32 @!p1 $0xFFFFFF80, s17  }
0x2c: {  	s18 =	ssub.s32 @!p1 $0x40, s18;
	p2 =	por !p2, p1;
	p3 =	sgt.s32 @!p1 s21, $0x7F  }
0x2d: {  	s17 =	ssub.s32 @!p1 $0x100, s17;
	s18 =	simm.s32 @!p2 $0x0;
	p2 =	por !p3, p1  }
0x2e: {  	s21 =	smov.u32 s14;
	p3 =	sgt.s32 @!p1 s20, $0x0;
	s17 =	simm.s32 @!p2 $0x0  }
0x2f: {  	s20 =	sadd.s32 $0x1, s13;
	p2 =	por !p3, p1;
	s17 =	smul.u32 @!p1 s17, s18  }
0x30: {  	s19 =	simm.s32 @!p2 $0x0;
	p2 =	sgt.s32 s20, $0x63;
	s18 =	sadd.s32 $0x10, s14  }
0x31: {  	p0 =	por !p0, !p0;
	s21 =	smov.u32 @p2 s18  }
0x32: {  	s22 =	smov.u32 s15;
	s18 =	sadd.s32 $0x100, s15;
	p3 =	sgt.s32 s21, $0x3F  }
0x33: {  	s23 =	simm.s32 @!p1 $0x2;
	s20 =	simm.s32 @p2 $0x0;
	s22 =	smov.u32 @p3 s18  }
0x34: {  	s17 =	smul.u32 @!p1 s19, s17;
	s19 =	smov.u32 s10;
	p2 =	sgt.s32 s22, $0xFF  }
0x35: {  	s10 =	smov.u32 s13;
	s22 =	smov.u32 @p2 s3;
	p2 =	sne.s32 s16, s8  }
.Ltmp1:
0x36: {  	s13 =	smov.u32 s20;
	s21 =	smov.u32 @p3 s7;
	(pc) =	sbr.rel @!p2 .LBB1_6-.Ltmp1, $4  }
0x37: {  	s18 =	smov.u32 s11;
	s11 =	smov.u32 s14;
	s17 =	sand.u32 @!p1 $0x3FFFFFFF, s17  }
0x38: {  	s14 =	smov.u32 s21;
	_ =	swait.ge @!p1 [sflag:s23], s17;
	s24 =	ssub.s32 @!p1 $0x0, s17  }
0x39: {  	s17 =	smov.u32 s12;
	s16 =	sadd.s32 $0x1, s16;
	[sflag:s23] =	ssyncset.done @!p1 $0x0  }
0x3a: {  	s12 =	smov.u32 s15;
	s15 =	smov.u32 s22;
	[sflag:s23] =	ssyncadd.s32 @!p1 s24  }
.LBB1_1:
0x3b: {  	p1 =	sge.u32 s16, s6  }
0x3c: {  	s20 =	sand.u32 @!p1 $0x1FFFFFF, s13;
	s22 =	smul.u32 @!p1 $0x1A000, s15  }
0x3d: {  	s21 =	smulhi.u32 @!p1 $0x2762763, s20  }
0x3e: {  	s24 =	smul.u32 @!p1 $0x680, s14  }
0x3f: {  	s21 =	smul.u32 @!p1 $0x68, s21  }
0x40: {  	s31 =	sadd.s32 $0xFFFFFFFF, s16;
	s22 =	sadd.s32 @!p1 s4, s22  }
0x41: {  	s23 =	sxor.u32 @!p1 $0xFFFFFFFF, s16;
	s22 =	sadd.s32 @!p1 s24, s22;
	s20 =	ssub.s32 @!p1 s20, s21  }
0x42: {  	s21 =	sshll.u32 @!p1 s23, $0xB;
	s23 =	simm.s32 @!p1 $0xD0000;
	s20 =	sshll.u32 @!p1 s20, $0x4  }
0x43: {  	s21 =	sand.u32 @!p1 $0x800, s21;
	s20 =	sadd.s32 @!p1 s20, s22;
	s22 =	simm.s32 @!p1 $0x10  }
0x44: {  	[tilespmem:s21], [sflag:$0x1] =	stream.strided.gather @!p1 [hbm4b:s20+s22], $0x800, s23, s22, $0x38;
	[tilespmem:$0x2020] =	vst v63  }
0x45: {  	p1 =	sge.u32 s31, s6  }
.Ltmp2:
0x46: {  	_ = 	snop;
	(pc) =	sbr.rel @p1 .LBB1_5-.Ltmp2, $1  }
0x47: {  	_ =	sdelay $0x3  }
0x48: {  	s20 =	simm.s32 $0x1  }
0x49: {  	s20 =	simm.s32 @!p0 $0x0  }
0x4a: {  	s21 =	sshll.u32 s20, $0xB  }
0x4b: {  	v1 =	vmov s21;
	_ =	sdelay $0x1  }
0x4c: {  	_ =	swait.ge [sflag:s5], $0x800  }
0x4d: {  	s31 =	sand.u32 $0x1, s16;
	[sflag:s5] =	ssyncset.done $0x0  }
0x4e: {  	s23 =	simm.s32 $0x0;
	s20 =	smul.u32 $0x2040, s20;
	[sflag:s5] =	ssyncadd.s32 $0xFFFFF800  }
0x4f: {  	s21 =	smul.u32 $0x2040, s31;
	v0 =	vld.idx.msk [tilespmem:v1+s23+$0x0 ss:$0x1], $0xffff;
	_ =	sdelay $0x1  }
0x50: {  	s20 =	sshrl.u32 s20, $0x2;
	s22 =	sshrl.u32 s21, $0x2  }
0x51: {  	s21 =	sor.u32 $0x1000, s20;
	s20 =	sor.u32 $0x1000, s22;
	s22 =	simm.s32 $0x40  }
.LBB1_3:
0x52: {  	s23 =	sshra.s32 s22, $0x2;
	p1 =	sne.s32 s22, $0x1FC0;
	s22 =	sadd.s32 $0x40, s22  }
.Ltmp3:
0x53: {  	[tilespmem:s21+$0x0 ss:$0x81] =	vst.msk $0xffff, v0;
	v0 =	vld.idx.msk [tilespmem:v1+s23+$0x0 ss:$0x1], $0xffff;
	(pc) =	sbr.rel @p1 .LBB1_3-.Ltmp3, $2  }
0x54: {  	_ =	sdelay $0x2  }
0x55: {  	s21 =	sadd.s32 $0x1, s21  }
.Ltmp4:
0x56: {  	_ = 	snop;
	(pc) =	sbr.rel .LBB1_4-.Ltmp4, $1  }
0x57: {  	_ =	sdelay $0x3  }
.LBB1_6:
0x58: {  	_ =	sfence.sel $0x180000  }
0x59: {  	s2 =	simm.s32 $0x1;
	[bflag:$0x0] =	sbarrier.arrive $0xFFFF  }
0x5a: {  	s31 =	simm.s32 $0x2;
	[sflag:s2] =	ssyncpa.u1 $0x1  }
0x5b: {  	[sflag:s31] =	ssyncpa.u1 $0x1  }
0x5c: {  	p0 =	sne.s32 s0, $0x0;
	_ =	strace $0x9000004A  }
0x5d: {  	s0 =	sadd.s32 @!p0 $0x100000, s1;
	[bflag:$0x2] =	sbarrier.arrive $0xFFFF  }
0x5e: {  	[sflag:s0] =	ssyncadd.tile.s32 @!p0 $0x1;
	_ =	shalt  }
.Lfunc_end1:
_tile_overlayer_lowered:
.L_overlay_start_2:
0x5f: {  	(tag) =	ssettag $0x2  }
0x60: {  	s0 =	rddreg [dreg:$0x0];
	s2 =	stileid.u32  }
0x61: {  	s1 =	rddreg [dreg:$0x1];
	p0 =	sne.s32 s2, $0x0  }
0x62: {  	s3 =	rddreg [dreg:$0x2];
	[bflag:$0x3] =	sbarrier.arrive $0xFFFF;
	s2 =	simm.s32 @!p0 $0x1C01  }
0x63: {  	[timem:s3], [sflag:s2] =	dma.local @!p0 [hbm:s0], s1  }
0x64: {  	s0 =	simm.s32 @!p0 $0x1  }
0x65: {  	_ =	swait.ge @!p0 [sflag:s0], s1  }
0x66: {  	s1 =	ssub.s32 @!p0 $0x0, s1;
	[sflag:s0] =	ssyncset.done @!p0 $0x0  }
0x67: {  	[sflag:s0] =	ssyncadd.s32 @!p0 s1  }
0x68: {  	[bflag:$0x3] =	sbarrier.arrive $0xFFFF  }
0x69: {  	_ =	shalt  }

</sc_bundles>
